<compile_context>
chip_gen: v7x
topology: tpu7x:2x2x1
jax: 0.10.2.dev20260603
libtpu: 0.0.44.dev20260713+nightly
codegen_flags: <defaults>
</compile_context>

<pallas_src>
import functools

import jax
import jax.numpy as jnp
from jax import lax
from jax.experimental import pallas as pl
from jax.experimental.pallas import tpu as pltpu
from jax.experimental.pallas import tpu_sc as plsc

B, L, D, V = 4096, 50, 128, 1000000
N = B * L
EPS = 1e-12

NC, NS = 2, 16
NW = NC * NS
PER_W = N // NW
CHUNK = 128
NCHUNK = PER_W // CHUNK


def _gather_body(idx_hbm, table_hbm, out_hbm, idx_v, rows_v, sem):
    wid = lax.axis_index("s") * NC + lax.axis_index("c")
    base = wid * PER_W
    pltpu.sync_copy(idx_hbm.at[pl.ds(base, PER_W)], idx_v)

    pltpu.async_copy(
        table_hbm.at[idx_v.at[pl.ds(0, CHUNK)]], rows_v.at[0], sem
    )

    def body(j, carry):
        cur = j % 2
        nxt = (j + 1) % 2
        pltpu.make_async_copy(
            table_hbm.at[idx_v.at[pl.ds(j * CHUNK, CHUNK)]], rows_v.at[cur],
            sem,
        ).wait()

        @pl.when(j + 1 < NCHUNK)
        def _start_next():
            pltpu.async_copy(
                table_hbm.at[idx_v.at[pl.ds((j + 1) * CHUNK, CHUNK)]],
                rows_v.at[nxt], sem,
            )

        pltpu.sync_copy(
            rows_v.at[cur], out_hbm.at[pl.ds(base + j * CHUNK, CHUNK)]
        )
        return carry

    lax.fori_loop(0, NCHUNK, body, 0)


@functools.cache
def _make_gather():
    return pl.kernel(
        _gather_body,
        mesh=plsc.VectorSubcoreMesh(core_axis_name="c", subcore_axis_name="s"),
        out_type=jax.ShapeDtypeStruct((N, D), jnp.float32),
        scratch_types=[
            pltpu.VMEM((PER_W,), jnp.int32),
            pltpu.VMEM((2, CHUNK, D), jnp.float32),
            pltpu.SemaphoreType.DMA,
        ],
        compiler_params=pltpu.CompilerParams(use_tc_tiling_on_sc=True),
    )


TB = 2048


def _tc_body(g_ref, ft_ref, wc_ref, bb_ref, gm_ref, bt_ref, o_ref):
    proj = jnp.dot(
        ft_ref[...].T, wc_ref[...], preferred_element_type=jnp.float32
    )
    emb = g_ref[...] + proj + bb_ref[...]
    mu = jnp.mean(emb, axis=-1, keepdims=True)
    dev = emb - mu
    var = jnp.mean(dev * dev, axis=-1, keepdims=True)
    o_ref[...] = dev * lax.rsqrt(var + EPS) * gm_ref[...] + bt_ref[...]


def _tc_call(gathered, feat, w_cat, bb, gm, bt):
    grid = (N // TB,)
    return pl.pallas_call(
        _tc_body,
        grid=grid,
        in_specs=[
            pl.BlockSpec((TB, D), lambda i: (i, 0)),
            pl.BlockSpec((5, TB), lambda i: (0, i)),
            pl.BlockSpec((5, D), lambda i: (0, 0)),
            pl.BlockSpec((1, D), lambda i: (0, 0)),
            pl.BlockSpec((1, D), lambda i: (0, 0)),
            pl.BlockSpec((1, D), lambda i: (0, 0)),
        ],
        out_specs=pl.BlockSpec((TB, D), lambda i: (i, 0)),
        out_shape=jax.ShapeDtypeStruct((N, D), jnp.float32),
    )(gathered, feat, w_cat, bb, gm, bt)


def kernel(categories, boxes, scores, table, W_box, b_box, W_score, b_score,
           gamma, beta):
    idx = categories.astype(jnp.int32).T.reshape(N)
    gathered = _make_gather()(idx, table)
    feat = jnp.concatenate(
        [jnp.transpose(boxes, (2, 1, 0)), scores.T[None]], axis=0
    ).reshape(5, N)
    w_cat = jnp.concatenate([W_box, W_score], axis=0)
    bias = (b_box + b_score).reshape(1, D)
    out = _tc_call(
        gathered,
        feat,
        w_cat,
        bias,
        gamma.reshape(1, D),
        beta.reshape(1, D),
    )
    return jnp.transpose(out.reshape(L, B, D), (1, 0, 2))

# --- scband reference (transcript-rebuilt; emitter-appended) ---
"""Pipeline reference for scband-category-box-embeddings-28415503630960 (READ-ONLY COPY).

The authoritative reference and input builder live on the scoring server;
editing this copy changes nothing except your own understanding.
"""

import jax, jax.numpy as jnp
import numpy as np

B, L, D, V = 4096, 50, 128, 1000000
EPS = 1e-12

def setup_inputs(seed: int = 0) -> dict:
    key = jax.random.key(seed)
    ks = jax.random.split(key, 8)
    categories = jax.random.randint(ks[0], (B, L), 0, V)
    boxes = jax.random.uniform(ks[1], (B, L, 4), dtype=jnp.float32)
    scores = jax.random.uniform(ks[2], (B, L), dtype=jnp.float32)
    table = jax.random.normal(ks[3], (V, D), dtype=jnp.float32) * 0.02
    table = table.at[0].set(0.0)  # padding_idx=0
    W_box = jax.random.normal(ks[4], (4, D), dtype=jnp.float32) * 0.02
    b_box = jnp.zeros((D,), jnp.float32)
    W_score = jax.random.normal(ks[5], (1, D), dtype=jnp.float32) * 0.02
    b_score = jnp.zeros((D,), jnp.float32)
    gamma = jnp.ones((D,), jnp.float32)
    beta = jnp.zeros((D,), jnp.float32)
    return {"categories": categories, "boxes": boxes, "scores": scores,
            "table": table, "W_box": W_box, "b_box": b_box,
            "W_score": W_score, "b_score": b_score,
            "gamma": gamma, "beta": beta}

def reference(categories, boxes, scores, table, W_box, b_box, W_score, b_score, gamma, beta):
    # nn.Embedding lookup (padding_idx=0 -> row 0 is zero in table)
    cat_emb = jnp.take(table, categories, axis=0)          # [B, L, D]
    box_emb = boxes @ W_box + b_box                        # [B, L, D]
    emb = cat_emb + box_emb
    score_emb = scores[..., None] @ W_score + b_score      # [B, L, D]
    emb = emb + score_emb
    # LayerNorm over last dim (biased variance, like torch)
    mu = jnp.mean(emb, axis=-1, keepdims=True)
    var = jnp.mean((emb - mu) ** 2, axis=-1, keepdims=True)
    out = (emb - mu) / jnp.sqrt(var + EPS) * gamma + beta
    # dropout is identity in eval mode
    return out

if __name__ == "__main__":
    import jax
    _d = setup_inputs()
    print(jax.jit(kernel)(*tuple(_d.values())))

</pallas_src>

<mosaic_0001>
#map = affine_map<(d0, d1) -> (0)>
#map1 = affine_map<(d0, d1) -> (0, 0)>
module attributes {stable_mosaic.version = 14 : i64} {
  func.func @_gather_body(%arg0: i32, %arg1: i32, %arg2: memref<204800xi32, #tpu.memory_space<hbm>>, %arg3: memref<1000000x128xf32, #tpu.memory_space<hbm>>, %arg4: memref<204800x128xf32, #tpu.memory_space<hbm>>, %arg5: memref<6400xi32, #tpu.memory_space<vmem>>, %arg6: memref<2x128x128xf32, #tpu.memory_space<vmem>>, %arg7: memref<!tpu.dma_semaphore, #tpu.memory_space<semaphore_mem>>) attributes {dimension_semantics = [#tpu.dimension_semantics<core_parallel>, #tpu.dimension_semantics<subcore_parallel>], iteration_bounds = array<i64: 2, 16>, scalar_prefetch = 0 : i64, scratch_operands = 3 : i64, tpu.core_type = #tpu.core_type<sc_vector_subcore>, window_params = [{transform_indices = #map}, {transform_indices = #map1}, {transform_indices = #map1}]} {
    %mul3A = arith.constant 2 : i32
    %mul3A_0 = arith.muli %arg1, %mul3A : i32
    %add3A = arith.addi %mul3A_0, %arg0 : i32
    %mul3A_1 = arith.constant 6400 : i32
    %mul3A_2 = arith.muli %add3A, %mul3A_1 : i32
    "tpu.region"() ({
      %run_scoped3A = tpu.sem_alloc : memref<!tpu.dma_semaphore, #tpu.memory_space<semaphore_mem>>
      %dma_start3A_17 = tpu.memref_slice %arg2[%mul3A_2] : memref<204800xi32, #tpu.memory_space<hbm>> -> memref<6400xi32, #tpu.memory_space<hbm>>
      %dma_start3A_18 = tpu.memref_slice %arg2[%mul3A_2] : memref<204800xi32, #tpu.memory_space<hbm>> -> memref<6400xi32, #tpu.memory_space<hbm>>
      tpu.enqueue_dma source(%dma_start3A_18 : memref<6400xi32, #tpu.memory_space<hbm>>) target(%arg5 : memref<6400xi32, #tpu.memory_space<vmem>>) target_semaphore(%run_scoped3A : memref<!tpu.dma_semaphore, #tpu.memory_space<semaphore_mem>>)
      %dma_wait3A = tpu.memref_slice %arg2[%mul3A_2] : memref<204800xi32, #tpu.memory_space<hbm>> -> memref<6400xi32, #tpu.memory_space<hbm>>
      %dma_wait3A_19 = tpu.memref_slice %arg2[%mul3A_2] : memref<204800xi32, #tpu.memory_space<hbm>> -> memref<6400xi32, #tpu.memory_space<hbm>>
      tpu.wait_dma2 semaphore(%run_scoped3A : memref<!tpu.dma_semaphore, #tpu.memory_space<semaphore_mem>>) src(%dma_wait3A_19 : memref<6400xi32, #tpu.memory_space<hbm>>) dst(%arg5 : memref<6400xi32, #tpu.memory_space<vmem>>)
      tpu.yield
    }) : () -> ()
    %dma_start3A = arith.constant 0 : i32
    %dma_start3A_3 = arith.constant 0 : i32
    %dma_start3A_4 = arith.constant 0 : i32
    %dma_start3A_5 = tpu.memref_slice %arg6[%dma_start3A, %dma_start3A_3, %dma_start3A_4] : memref<2x128x128xf32, #tpu.memory_space<vmem>> -> memref<1x128x128xf32, #tpu.memory_space<vmem>>
    %dma_start3A_6 = tpu.memref_squeeze %dma_start3A_5 : memref<1x128x128xf32, #tpu.memory_space<vmem>> -> memref<128x128xf32, #tpu.memory_space<vmem>>
    %dma_start3A_7 = arith.constant 0 : i32
    %dma_start3A_8 = tpu.memref_slice %arg5[%dma_start3A_7] : memref<6400xi32, #tpu.memory_space<vmem>> -> memref<128xi32, #tpu.memory_space<vmem>>
    %dma_start3A_9 = arith.constant 0 : i32
    %dma_start3A_10 = arith.constant 0 : i32
    %dma_start3A_11 = tpu.memref_slice %arg3[%dma_start3A_9, %dma_start3A_10] : memref<1000000x128xf32, #tpu.memory_space<hbm>> -> memref<1000000x128xf32, #tpu.memory_space<hbm>>
    tpu.enqueue_indirect_dma source(%dma_start3A_11 : memref<1000000x128xf32, #tpu.memory_space<hbm>>) target(%dma_start3A_6 : memref<128x128xf32, #tpu.memory_space<vmem>>) offsets(%dma_start3A_8 : memref<128xi32, #tpu.memory_space<vmem>>) semaphore(%arg7 : memref<!tpu.dma_semaphore, #tpu.memory_space<semaphore_mem>>)
    %scan3A = arith.constant 0 : i32
    %scan3A_12 = arith.constant 0 : i32
    %scan3A_13 = arith.constant 50 : i32
    %scan3A_14 = arith.addi %scan3A_12, %scan3A_13 : i32
    %scan3A_15 = arith.constant 1 : i32
    scf.for %scan3A_17 = %scan3A_12 to %scan3A_14 step %scan3A_15  : i32 {
      %jit3A = arith.constant 2 : i32
      %eq3A = arith.constant 0 : i32
      %eq3A_18 = arith.cmpi eq, %jit3A, %eq3A : i32
      %jit3A_19 = arith.constant 1 : i32
      %select_n3A = arith.select %eq3A_18, %jit3A_19, %jit3A : i32
      %rem3A = arith.remsi %scan3A_17, %select_n3A : i32
      %ne3A = arith.constant 0 : i32
      %ne3A_20 = arith.cmpi ne, %rem3A, %ne3A : i32
      %lt3A = arith.constant 0 : i32
      %lt3A_21 = arith.cmpi slt, %rem3A, %lt3A : i32
      %lt3A_22 = arith.constant 0 : i32
      %lt3A_23 = arith.cmpi slt, %select_n3A, %lt3A_22 : i32
      %ne3A_24 = arith.xori %lt3A_21, %lt3A_23 : i1
      %and3A = arith.andi %ne3A_24, %ne3A_20 : i1
      %add3A_25 = arith.addi %rem3A, %select_n3A : i32
      %select_n3A_26 = arith.select %and3A, %add3A_25, %rem3A : i32
      %add3A_27 = arith.constant 1 : i32
      %add3A_28 = arith.addi %scan3A_17, %add3A_27 : i32
      %jit3A_29 = arith.constant 2 : i32
      %eq3A_30 = arith.constant 0 : i32
      %eq3A_31 = arith.cmpi eq, %jit3A_29, %eq3A_30 : i32
      %jit3A_32 = arith.constant 1 : i32
      %select_n3A_33 = arith.select %eq3A_31, %jit3A_32, %jit3A_29 : i32
      %rem3A_34 = arith.remsi %add3A_28, %select_n3A_33 : i32
      %ne3A_35 = arith.constant 0 : i32
      %ne3A_36 = arith.cmpi ne, %rem3A_34, %ne3A_35 : i32
      %lt3A_37 = arith.constant 0 : i32
      %lt3A_38 = arith.cmpi slt, %rem3A_34, %lt3A_37 : i32
      %lt3A_39 = arith.constant 0 : i32
      %lt3A_40 = arith.cmpi slt, %select_n3A_33, %lt3A_39 : i32
      %ne3A_41 = arith.xori %lt3A_38, %lt3A_40 : i1
      %and3A_42 = arith.andi %ne3A_41, %ne3A_36 : i1
      %add3A_43 = arith.addi %rem3A_34, %select_n3A_33 : i32
      %select_n3A_44 = arith.select %and3A_42, %add3A_43, %rem3A_34 : i32
      %mul3A_45 = arith.constant 128 : i32
      %mul3A_46 = arith.muli %scan3A_17, %mul3A_45 : i32
      %dma_wait3A = arith.constant 0 : i32
      %dma_wait3A_47 = arith.constant 0 : i32
      %dma_wait3A_48 = tpu.memref_slice %arg6[%select_n3A_26, %dma_wait3A, %dma_wait3A_47] : memref<2x128x128xf32, #tpu.memory_space<vmem>> -> memref<1x128x128xf32, #tpu.memory_space<vmem>>
      %dma_wait3A_49 = tpu.memref_squeeze %dma_wait3A_48 : memref<1x128x128xf32, #tpu.memory_space<vmem>> -> memref<128x128xf32, #tpu.memory_space<vmem>>
      %dma_wait3A_50 = tpu.memref_slice %arg5[%mul3A_46] : memref<6400xi32, #tpu.memory_space<vmem>> -> memref<128xi32, #tpu.memory_space<vmem>>
      %dma_wait3A_51 = arith.constant 0 : i32
      %dma_wait3A_52 = arith.constant 0 : i32
      %dma_wait3A_53 = tpu.memref_slice %arg3[%dma_wait3A_51, %dma_wait3A_52] : memref<1000000x128xf32, #tpu.memory_space<hbm>> -> memref<1000000x128xf32, #tpu.memory_space<hbm>>
      tpu.wait_indirect_dma semaphore(%arg7 : memref<!tpu.dma_semaphore, #tpu.memory_space<semaphore_mem>>) src(%dma_wait3A_53 : memref<1000000x128xf32, #tpu.memory_space<hbm>>) dst(%dma_wait3A_49 : memref<128x128xf32, #tpu.memory_space<vmem>>)
      %add3A_54 = arith.constant 1 : i32
      %add3A_55 = arith.addi %scan3A_17, %add3A_54 : i32
      %lt3A_56 = arith.constant 50 : i32
      %lt3A_57 = arith.cmpi slt, %add3A_55, %lt3A_56 : i32
      %convert_element_type3A = arith.extui %lt3A_57 : i1 to i32
      %cond3A = arith.constant 0 : i32
      %cond3A_58 = arith.cmpi ne, %convert_element_type3A, %cond3A : i32
      scf.if %cond3A_58 {
        %add3A_62 = arith.constant 1 : i32
        %add3A_63 = arith.addi %scan3A_17, %add3A_62 : i32
        %mul3A_64 = arith.constant 128 : i32
        %mul3A_65 = arith.muli %add3A_63, %mul3A_64 : i32
        %dma_start3A_66 = arith.constant 0 : i32
        %dma_start3A_67 = arith.constant 0 : i32
        %dma_start3A_68 = tpu.memref_slice %arg6[%select_n3A_44, %dma_start3A_66, %dma_start3A_67] : memref<2x128x128xf32, #tpu.memory_space<vmem>> -> memref<1x128x128xf32, #tpu.memory_space<vmem>>
        %dma_start3A_69 = tpu.memref_squeeze %dma_start3A_68 : memref<1x128x128xf32, #tpu.memory_space<vmem>> -> memref<128x128xf32, #tpu.memory_space<vmem>>
        %dma_start3A_70 = tpu.memref_slice %arg5[%mul3A_65] : memref<6400xi32, #tpu.memory_space<vmem>> -> memref<128xi32, #tpu.memory_space<vmem>>
        %dma_start3A_71 = arith.constant 0 : i32
        %dma_start3A_72 = arith.constant 0 : i32
        %dma_start3A_73 = tpu.memref_slice %arg3[%dma_start3A_71, %dma_start3A_72] : memref<1000000x128xf32, #tpu.memory_space<hbm>> -> memref<1000000x128xf32, #tpu.memory_space<hbm>>
        tpu.enqueue_indirect_dma source(%dma_start3A_73 : memref<1000000x128xf32, #tpu.memory_space<hbm>>) target(%dma_start3A_69 : memref<128x128xf32, #tpu.memory_space<vmem>>) offsets(%dma_start3A_70 : memref<128xi32, #tpu.memory_space<vmem>>) semaphore(%arg7 : memref<!tpu.dma_semaphore, #tpu.memory_space<semaphore_mem>>)
      } else {
      }
      %mul3A_59 = arith.constant 128 : i32
      %mul3A_60 = arith.muli %scan3A_17, %mul3A_59 : i32
      %add3A_61 = arith.addi %mul3A_2, %mul3A_60 : i32
      "tpu.region"() ({
        %run_scoped3A = tpu.sem_alloc : memref<!tpu.dma_semaphore, #tpu.memory_space<semaphore_mem>>
        %dma_start3A_62 = arith.constant 0 : i32
        %dma_start3A_63 = arith.constant 0 : i32
        %dma_start3A_64 = tpu.memref_slice %arg6[%select_n3A_26, %dma_start3A_62, %dma_start3A_63] : memref<2x128x128xf32, #tpu.memory_space<vmem>> -> memref<1x128x128xf32, #tpu.memory_space<vmem>>
        %dma_start3A_65 = tpu.memref_squeeze %dma_start3A_64 : memref<1x128x128xf32, #tpu.memory_space<vmem>> -> memref<128x128xf32, #tpu.memory_space<vmem>>
        %dma_start3A_66 = arith.constant 0 : i32
        %dma_start3A_67 = tpu.memref_slice %arg4[%add3A_61, %dma_start3A_66] : memref<204800x128xf32, #tpu.memory_space<hbm>> -> memref<128x128xf32, #tpu.memory_space<hbm>>
        %dma_start3A_68 = arith.constant 0 : i32
        %dma_start3A_69 = tpu.memref_slice %arg4[%add3A_61, %dma_start3A_68] : memref<204800x128xf32, #tpu.memory_space<hbm>> -> memref<128x128xf32, #tpu.memory_space<hbm>>
        %dma_start3A_70 = arith.constant 0 : i32
        %dma_start3A_71 = arith.constant 0 : i32
        %dma_start3A_72 = tpu.memref_slice %arg6[%select_n3A_26, %dma_start3A_70, %dma_start3A_71] : memref<2x128x128xf32, #tpu.memory_space<vmem>> -> memref<1x128x128xf32, #tpu.memory_space<vmem>>
        %dma_start3A_73 = tpu.memref_squeeze %dma_start3A_72 : memref<1x128x128xf32, #tpu.memory_space<vmem>> -> memref<128x128xf32, #tpu.memory_space<vmem>>
        tpu.enqueue_dma source(%dma_start3A_73 : memref<128x128xf32, #tpu.memory_space<vmem>>) target(%dma_start3A_69 : memref<128x128xf32, #tpu.memory_space<hbm>>) target_semaphore(%run_scoped3A : memref<!tpu.dma_semaphore, #tpu.memory_space<semaphore_mem>>)
        %dma_wait3A_74 = arith.constant 0 : i32
        %dma_wait3A_75 = arith.constant 0 : i32
        %dma_wait3A_76 = tpu.memref_slice %arg6[%select_n3A_26, %dma_wait3A_74, %dma_wait3A_75] : memref<2x128x128xf32, #tpu.memory_space<vmem>> -> memref<1x128x128xf32, #tpu.memory_space<vmem>>
        %dma_wait3A_77 = tpu.memref_squeeze %dma_wait3A_76 : memref<1x128x128xf32, #tpu.memory_space<vmem>> -> memref<128x128xf32, #tpu.memory_space<vmem>>
        %dma_wait3A_78 = arith.constant 0 : i32
        %dma_wait3A_79 = tpu.memref_slice %arg4[%add3A_61, %dma_wait3A_78] : memref<204800x128xf32, #tpu.memory_space<hbm>> -> memref<128x128xf32, #tpu.memory_space<hbm>>
        %dma_wait3A_80 = arith.constant 0 : i32
        %dma_wait3A_81 = tpu.memref_slice %arg4[%add3A_61, %dma_wait3A_80] : memref<204800x128xf32, #tpu.memory_space<hbm>> -> memref<128x128xf32, #tpu.memory_space<hbm>>
        %dma_wait3A_82 = arith.constant 0 : i32
        %dma_wait3A_83 = arith.constant 0 : i32
        %dma_wait3A_84 = tpu.memref_slice %arg6[%select_n3A_26, %dma_wait3A_82, %dma_wait3A_83] : memref<2x128x128xf32, #tpu.memory_space<vmem>> -> memref<1x128x128xf32, #tpu.memory_space<vmem>>
        %dma_wait3A_85 = tpu.memref_squeeze %dma_wait3A_84 : memref<1x128x128xf32, #tpu.memory_space<vmem>> -> memref<128x128xf32, #tpu.memory_space<vmem>>
        tpu.wait_dma2 semaphore(%run_scoped3A : memref<!tpu.dma_semaphore, #tpu.memory_space<semaphore_mem>>) src(%dma_wait3A_85 : memref<128x128xf32, #tpu.memory_space<vmem>>) dst(%dma_wait3A_81 : memref<128x128xf32, #tpu.memory_space<hbm>>)
        tpu.yield
      }) : () -> ()
    }
    %scan3A_16 = arith.constant 50 : i32
    return
  }
}

module attributes {stable_mosaic.version = 14 : i64} {
  func.func @_tc_body(%arg0: i32, %arg1: memref<2048x128xf32, #tpu.memory_space<vmem>>, %arg2: memref<5x2048xf32, #tpu.memory_space<vmem>>, %arg3: memref<5x128xf32, #tpu.memory_space<vmem>>, %arg4: memref<1x128xf32, #tpu.memory_space<vmem>>, %arg5: memref<1x128xf32, #tpu.memory_space<vmem>>, %arg6: memref<1x128xf32, #tpu.memory_space<vmem>>, %arg7: memref<2048x128xf32, #tpu.memory_space<vmem>>) attributes {dimension_semantics = [#tpu.dimension_semantics<arbitrary>], iteration_bounds = array<i64: 100>, scalar_prefetch = 0 : i64, scratch_operands = 0 : i64, tpu.core_type = #tpu.core_type<tc>, window_params = [{transform_indices = @transform_0, window_bounds = array<i64: 2048, 128>}, {transform_indices = @transform_1, window_bounds = array<i64: 5, 2048>}, {pipeline_mode = #tpu.pipeline_mode<synchronous>, transform_indices = @transform_2, window_bounds = array<i64: 5, 128>}, {pipeline_mode = #tpu.pipeline_mode<synchronous>, transform_indices = @transform_3, window_bounds = array<i64: 1, 128>}, {pipeline_mode = #tpu.pipeline_mode<synchronous>, transform_indices = @transform_4, window_bounds = array<i64: 1, 128>}, {pipeline_mode = #tpu.pipeline_mode<synchronous>, transform_indices = @transform_5, window_bounds = array<i64: 1, 128>}, {transform_indices = @transform_6, window_bounds = array<i64: 2048, 128>}]} {
    %get3A = arith.constant 0 : index
    %get3A_0 = arith.constant 0 : index
    %get3A_1 = vector.load %arg2[%get3A, %get3A_0] : memref<5x2048xf32, #tpu.memory_space<vmem>>, vector<5x2048xf32>
    %transpose3A = tpu.transpose %get3A_1, [1, 0] : vector<5x2048xf32> -> vector<2048x5xf32>
    %get3A_2 = arith.constant 0 : index
    %get3A_3 = arith.constant 0 : index
    %get3A_4 = vector.load %arg3[%get3A_2, %get3A_3] : memref<5x128xf32, #tpu.memory_space<vmem>>, vector<5x128xf32>
    %dot_general3A = arith.constant dense<0.000000e+00> : vector<2048x128xf32>
    %dot_general3A_5 = tpu.matmul %transpose3A, %get3A_4, %dot_general3A {dimension_numbers = #tpu.dot_dimension_numbers<[1], [0], [0], [1], [0, 0, 1, 1], [], []>, transpose_lhs_hint = false} : vector<2048x5xf32>, vector<5x128xf32>, vector<2048x128xf32> -> vector<2048x128xf32>
    %get3A_6 = arith.constant 0 : index
    %get3A_7 = arith.constant 0 : index
    %get3A_8 = vector.load %arg1[%get3A_6, %get3A_7] : memref<2048x128xf32, #tpu.memory_space<vmem>>, vector<2048x128xf32>
    %add3A = arith.addf %get3A_8, %dot_general3A_5 : vector<2048x128xf32>
    %get3A_9 = arith.constant 0 : index
    %get3A_10 = arith.constant 0 : index
    %get3A_11 = vector.load %arg4[%get3A_9, %get3A_10] : memref<1x128xf32, #tpu.memory_space<vmem>>, vector<1x128xf32>
    %add3A_12 = vector.broadcast %get3A_11 : vector<1x128xf32> to vector<2048x128xf32>
    %add3A_13 = arith.addf %add3A, %add3A_12 : vector<2048x128xf32>
    %reduce_sum3A = arith.constant dense<0.000000e+00> : vector<2048xf32>
    %reduce_sum3A_14 = vector.multi_reduction <add>, %add3A_13, %reduce_sum3A [1] : vector<2048x128xf32> to vector<2048xf32>
    %broadcast_in_dim3A = vector.shape_cast %reduce_sum3A_14 : vector<2048xf32> to vector<2048x1xf32>
    %div3A = arith.constant 1.280000e+02 : f32
    %div3A_15 = vector.broadcast %div3A : f32 to vector<2048x1xf32>
    %div3A_16 = arith.divf %broadcast_in_dim3A, %div3A_15 : vector<2048x1xf32>
    %sub3A = vector.broadcast %div3A_16 : vector<2048x1xf32> to vector<2048x128xf32>
    %sub3A_17 = arith.subf %add3A_13, %sub3A : vector<2048x128xf32>
    %mul3A = arith.mulf %sub3A_17, %sub3A_17 : vector<2048x128xf32>
    %reduce_sum3A_18 = arith.constant dense<0.000000e+00> : vector<2048xf32>
    %reduce_sum3A_19 = vector.multi_reduction <add>, %mul3A, %reduce_sum3A_18 [1] : vector<2048x128xf32> to vector<2048xf32>
    %broadcast_in_dim3A_20 = vector.shape_cast %reduce_sum3A_19 : vector<2048xf32> to vector<2048x1xf32>
    %div3A_21 = arith.constant 1.280000e+02 : f32
    %div3A_22 = vector.broadcast %div3A_21 : f32 to vector<2048x1xf32>
    %div3A_23 = arith.divf %broadcast_in_dim3A_20, %div3A_22 : vector<2048x1xf32>
    %add3A_24 = arith.constant 9.99999996E-13 : f32
    %add3A_25 = vector.broadcast %add3A_24 : f32 to vector<2048x1xf32>
    %add3A_26 = arith.addf %div3A_23, %add3A_25 : vector<2048x1xf32>
    %rsqrt3A = math.rsqrt %add3A_26 : vector<2048x1xf32>
    %mul3A_27 = vector.broadcast %rsqrt3A : vector<2048x1xf32> to vector<2048x128xf32>
    %mul3A_28 = arith.mulf %sub3A_17, %mul3A_27 : vector<2048x128xf32>
    %get3A_29 = arith.constant 0 : index
    %get3A_30 = arith.constant 0 : index
    %get3A_31 = vector.load %arg5[%get3A_29, %get3A_30] : memref<1x128xf32, #tpu.memory_space<vmem>>, vector<1x128xf32>
    %mul3A_32 = vector.broadcast %get3A_31 : vector<1x128xf32> to vector<2048x128xf32>
    %mul3A_33 = arith.mulf %mul3A_28, %mul3A_32 : vector<2048x128xf32>
    %get3A_34 = arith.constant 0 : index
    %get3A_35 = arith.constant 0 : index
    %get3A_36 = vector.load %arg6[%get3A_34, %get3A_35] : memref<1x128xf32, #tpu.memory_space<vmem>>, vector<1x128xf32>
    %add3A_37 = vector.broadcast %get3A_36 : vector<1x128xf32> to vector<2048x128xf32>
    %add3A_38 = arith.addf %mul3A_33, %add3A_37 : vector<2048x128xf32>
    %swap3A = arith.constant 0 : index
    %swap3A_39 = arith.constant 0 : index
    %swap3A_40 = vector.load %arg7[%swap3A, %swap3A_39] : memref<2048x128xf32, #tpu.memory_space<vmem>>, vector<2048x128xf32>
    tpu.vector_store %arg7[%swap3A, %swap3A_39], %add3A_38 {strides = array<i32>} : memref<2048x128xf32, #tpu.memory_space<vmem>>, vector<2048x128xf32>,
    return
  }
  func.func @transform_0(%arg0: i32) -> (i32, i32) {
    %c0_i32 = arith.constant 0 : i32
    %c0_i32_0 = arith.constant 0 : i32
    return %arg0, %c0_i32 : i32, i32
  }
  func.func @transform_1(%arg0: i32) -> (i32, i32) {
    %c0_i32 = arith.constant 0 : i32
    %c0_i32_0 = arith.constant 0 : i32
    return %c0_i32, %arg0 : i32, i32
  }
  func.func @transform_2(%arg0: i32) -> (i32, i32) {
    %c0_i32 = arith.constant 0 : i32
    %c0_i32_0 = arith.constant 0 : i32
    %c0_i32_1 = arith.constant 0 : i32
    return %c0_i32, %c0_i32_0 : i32, i32
  }
  func.func @transform_3(%arg0: i32) -> (i32, i32) {
    %c0_i32 = arith.constant 0 : i32
    %c0_i32_0 = arith.constant 0 : i32
    %c0_i32_1 = arith.constant 0 : i32
    return %c0_i32, %c0_i32_0 : i32, i32
  }
  func.func @transform_4(%arg0: i32) -> (i32, i32) {
    %c0_i32 = arith.constant 0 : i32
    %c0_i32_0 = arith.constant 0 : i32
    %c0_i32_1 = arith.constant 0 : i32
    return %c0_i32, %c0_i32_0 : i32, i32
  }
  func.func @transform_5(%arg0: i32) -> (i32, i32) {
    %c0_i32 = arith.constant 0 : i32
    %c0_i32_0 = arith.constant 0 : i32
    %c0_i32_1 = arith.constant 0 : i32
    return %c0_i32, %c0_i32_0 : i32, i32
  }
  func.func @transform_6(%arg0: i32) -> (i32, i32) {
    %c0_i32 = arith.constant 0 : i32
    %c0_i32_0 = arith.constant 0 : i32
    return %arg0, %c0_i32 : i32, i32
  }
}

</mosaic_0001>

<sc_bundles>
// kernel: kernel.4.cloned.1.call-start
scs
__scs_entry_jumppad:
0x0: {  	(pc) =	sbr.rel $0x88, $3  }
0x1: {  	(tag) =	ssettag $0x0;
	lr =	simm.s32 $0x1  }
0x2: {  	[smem:$0x3F97] =	sst lr;
	_ =	strace $0xD0000000  }
0x3: {  	_ = 	snop  }
0x4: {  	_ = 	snop  }
0x5: {  	_ = 	snop  }
0x6: {  	_ = 	snop  }
0x7: {  	_ = 	snop  }
__scs_overlays_trampoline_lowered:
0x8: {  	[smem:$0x3FA6] =	sst s0  }
0x9: {  	[smem:$0x3FA7] =	sst s1  }
0xa: {  	[smem:$0x3FA8] =	sst s2  }
0xb: {  	[smem:$0x3FA9] =	sst s3  }
0xc: {  	[smem:$0x3FAA] =	sst s4  }
0xd: {  	[smem:$0x3FAB] =	sst s5  }
0xe: {  	[smem:$0x3FAC] =	sst s6  }
0xf: {  	[smem:$0x3FAD] =	sst s7  }
0x10: {  	[smem:$0x3FAE] =	sst s8  }
0x11: {  	[smem:$0x3FAF] =	sst s9;
	s0 =	simm.s32 @!p0 $0x0  }
0x12: {  	s1 =	sld [smem:$0x3F95];
	s0 =	simm.s32 @p0 $0x1  }
0x13: {  	[smem:$0x3FB0] =	sst s0;
	s0 =	simm.s32 @!p1 $0x0  }
0x14: {  	s2 =	sld [smem:$0x3F94];
	s0 =	simm.s32 @p1 $0x1  }
0x15: {  	[smem:$0x3FB1] =	sst s0;
	s0 =	simm.s32 @!p2 $0x0  }
0x16: {  	s3 =	sld [smem:$0x3FDB];
	s0 =	simm.s32 @p2 $0x1  }
0x17: {  	s4 =	simm.s32 $0x1BF5;
	[smem:$0x3FB3] =	sst s0  }
0x18: {  	s0 =	sld [smem:$0x3F96];
	_ =	swait.ge [sflag:s4], $0x0  }
0x19: {  	s7 =	sld [smem:$0x3F97]  }
0x1a: {  	s8 =	sadd.s32 $0xFFFFE003, lr  }
0x1b: {  	s9 =	sadd.s32 $0xFFFFFEF7, lr;
	s5 =	simm.s32 $0xFFFFFFFF;
	p2 =	slt.u32 s8, $0xFFFFF086  }
0x1c: {  	p1 =	slt.u32 s9, $0xF7A;
	s5 =	simm.s32 @!p2 $0x0  }
0x1d: {  	s5 =	simm.s32 @p1 $0x1;
	p0 =	seq.s32 s7, s2  }
0x1e: {  	s7 =	smul.u32 @!p0 $0xF7A, s2;
	p2 =	seq.s32 @!p0 s5, $0x0  }
0x1f: {  	s9 =	smul.u32 $0xF7A, s1;
	s8 =	simm.s32 @!p0 $0x1BF5;
	p2 =	por !p2, p0  }
0x20: {  	[sflag:s8] =	ssyncset.s32 @!p0 $0xFFFFF086;
	s6 =	sadd.s32 @!p0 s3, s7;
	s7 =	simm.s32 @!p0 $0x108  }
0x21: {  	s3 =	sadd.s32 s3, s9;
	s6 =	sadd.s32 @!p0 $0x88, s6;
	s7 =	simm.s32 @p2 $0x1082  }
0x22: {  	[simem:s7], [sflag:s8] =	dma.local @!p0 [hbm:s6], $0xF7A  }
0x23: {  	s9 =	sor.u32 $0xD0000000, s2;
	s6 =	simm.s32 $0x108;
	_ =	swait.ge @!p0 [sflag:s8], $0x0  }
0x24: {  	s3 =	sadd.s32 $0x88, s3;
	s6 =	simm.s32 @!p1 $0x1082;
	[sflag:s4] =	ssyncset.s32 $0xFFFFF086  }
0x25: {  	[simem:s6], [sflag:s4] =	dma.local [hbm:s3], $0xF7A  }
0x26: {  	[smem:$0x3F97] =	sst s1;
	(tag) =	ssettag s2;
	_ =	strace s9  }
0x27: {  	s1 =	sld [smem:$0x3FA7]  }
0x28: {  	s2 =	sld [smem:$0x3FA8]  }
0x29: {  	s4 =	sld [smem:$0x3FAA]  }
0x2a: {  	p0 =	seq.s32 s5, $0x0;
	s5 =	sld [smem:$0x3FAB]  }
0x2b: {  	s6 =	sld [smem:$0x3FAC]  }
0x2c: {  	s7 =	sld [smem:$0x3FAD]  }
0x2d: {  	s3 =	simm.s32 $0x108;
	s8 =	sld [smem:$0x3FAE]  }
0x2e: {  	s3 =	simm.s32 @!p0 $0x1082;
	s9 =	sld [smem:$0x3FAF]  }
0x2f: {  	lr =	sadd.s32 s0, s3;
	s0 =	sld [smem:$0x3FA6]  }
0x30: {  	s3 =	sld [smem:$0x3FA9]  }
0x31: {  	[smem:$0x3FB2] =	sst s10  }
0x32: {  	s10 =	sld [smem:$0x3FB0];
	_ =	sdelay $0x3  }
0x33: {  	p0 =	seq.s32 s10, $0x1;
	s10 =	sld [smem:$0x3FB2];
	_ =	sdelay $0x3  }
0x34: {  	[smem:$0x3FB2] =	sst s10  }
0x35: {  	s10 =	sld [smem:$0x3FB1];
	_ =	sdelay $0x3  }
0x36: {  	p1 =	seq.s32 s10, $0x1;
	s10 =	sld [smem:$0x3FB2];
	_ =	sdelay $0x3  }
0x37: {  	[smem:$0x3FB2] =	sst s10  }
0x38: {  	s10 =	sld [smem:$0x3FB3]  }
0x39: {  	_ = 	snop;
	(pc) =	sbr.ind lr, $3  }
0x3a: {  	_ = 	snop  }
0x3b: {  	_ = 	snop  }
0x3c: {  	p2 =	seq.s32 s10, $0x1;
	s10 =	sld [smem:$0x3FB2]  }
0x3d: {  	_ =	shalt  }
0x3e: {  	_ =	shalt  }
0x3f: {  	_ =	shalt  }
0x40: {  	_ =	shalt  }
0x41: {  	_ =	shalt  }
0x42: {  	_ =	shalt  }
0x43: {  	_ =	shalt  }
0x44: {  	_ =	shalt  }
0x45: {  	_ =	shalt  }
0x46: {  	_ =	shalt  }
0x47: {  	_ =	shalt  }
0x48: {  	_ =	shalt  }
0x49: {  	_ =	shalt  }
0x4a: {  	_ =	shalt  }
0x4b: {  	_ =	shalt  }
0x4c: {  	_ =	shalt  }
0x4d: {  	_ =	shalt  }
0x4e: {  	_ =	shalt  }
0x4f: {  	_ =	shalt  }
0x50: {  	_ =	shalt  }
0x51: {  	_ =	shalt  }
0x52: {  	_ =	shalt  }
0x53: {  	_ =	shalt  }
0x54: {  	_ =	shalt  }
0x55: {  	_ =	shalt  }
0x56: {  	_ =	shalt  }
0x57: {  	_ =	shalt  }
0x58: {  	_ =	shalt  }
0x59: {  	_ =	shalt  }
0x5a: {  	_ =	shalt  }
0x5b: {  	_ =	shalt  }
0x5c: {  	_ =	shalt  }
0x5d: {  	_ =	shalt  }
0x5e: {  	_ =	shalt  }
0x5f: {  	_ =	shalt  }
0x60: {  	_ =	shalt  }
0x61: {  	_ =	shalt  }
0x62: {  	_ =	shalt  }
0x63: {  	_ =	shalt  }
0x64: {  	_ =	shalt  }
0x65: {  	_ =	shalt  }
0x66: {  	_ =	shalt  }
0x67: {  	_ =	shalt  }
0x68: {  	_ =	shalt  }
0x69: {  	_ =	shalt  }
0x6a: {  	_ =	shalt  }
0x6b: {  	_ =	shalt  }
0x6c: {  	_ =	shalt  }
0x6d: {  	_ =	shalt  }
0x6e: {  	_ =	shalt  }
0x6f: {  	_ =	shalt  }
0x70: {  	_ =	shalt  }
0x71: {  	_ =	shalt  }
0x72: {  	_ =	shalt  }
0x73: {  	_ =	shalt  }
0x74: {  	_ =	shalt  }
0x75: {  	_ =	shalt  }
0x76: {  	_ =	shalt  }
0x77: {  	_ =	shalt  }
0x78: {  	_ =	shalt  }
0x79: {  	_ =	shalt  }
0x7a: {  	_ =	shalt  }
0x7b: {  	_ =	shalt  }
0x7c: {  	_ =	shalt  }
0x7d: {  	_ =	shalt  }
0x7e: {  	_ =	shalt  }
0x7f: {  	_ =	shalt  }
0x80: {  	_ =	shalt  }
0x81: {  	_ =	shalt  }
0x82: {  	_ =	shalt  }
0x83: {  	_ =	shalt  }
0x84: {  	_ =	shalt  }
0x85: {  	_ =	shalt  }
0x86: {  	_ =	shalt  }
0x87: {  	_ =	shalt  }
.Lfunc_end0:
.L_simem_size_0:
called_computation_lowered:
.L_overlay_start_0:
0x88: {  	s2 =	sld [smem:$0x3FD9]  }
0x89: {  	s3 =	sld [smem:$0x3FFE];
	_ =	sdelay $0x1  }
0x8a: {  	s1 =	srdreg.scid  }
0x8b: {  	s0 =	sand.u32 $0x1, s1  }
0x8c: {  	s17 =	sshll.u32 s0, $0xA;
	s2 =	sadd.s32 s3, s2  }
0x8d: {  	s2 =	sadd.s32 s2, s17  }
0x8e: {  	[smem:$0x3FBE] =	sst s2  }
0x8f: {  	_ = 	snop  }
0x90: {  	s2 =	sld [smem:$0x3FC6]  }
0x91: {  	s18 =	sld [smem:$0x3FD0];
	(tm) =	ssettm $0x1  }
0x92: {  	s4 =	sld [smem:$0x3FFB];
	_ =	sdelay $0x3  }
0x93: {  	_ =	strace s4  }
0x94: {  	s4 =	sld [smem:$0x3FFC];
	_ =	sdelay $0x3  }
0x95: {  	_ =	strace s4  }
0x96: {  	s4 =	sld [smem:$0x3FFD];
	_ =	sdelay $0x3  }
0x97: {  	_ =	strace s4  }
0x98: {  	_ =	strace $0x8FFFFFFF  }
0x99: {  	s19 =	sld [smem:$0x3FDB];
	_ =	sdelay $0x1  }
0x9a: {  	s5 =	simm.s32 $_scs_section_size  }
0x9b: {  	s6 =	simm.s32 $_size__tile_overlayer_lowered;
	s7 =	simm.s32 $_tile_overlayer_lowered  }
0x9c: {  	s22 =	simm.s32 $0x1BFF;
	s21 =	sshll.u32 s7, $0x1;
	s4 =	sadd.s32 s5, s19  }
0x9d: {  	s8 =	simm.s32 $0x0;
	s20 =	sshll.u32 s6, $0x1;
	s6 =	sadd.s32 s21, s4  }
0x9e: {  	[timem:s8], [sflag:s22] =	dma.local [hbm:s6], s20  }
0x9f: {  	_ =	swait.ge [sflag:s22], s20  }
0xa0: {  	s5 =	ssub.s32 $0x0, s20;
	[sflag:s22] =	ssyncset.done $0x0  }
0xa1: {  	[sflag:s22] =	ssyncadd.s32 s5;
	_ =	sdelay $0x1  }
0xa2: {  	s23 =	simm.s32 $0x1B8B  }
0xa3: {  	_ =	swait.ge [sflag:s23], $0x1  }
0xa4: {  	[sflag:s23] =	ssyncset.done $0x0  }
0xa5: {  	s25 =	simm.s32 $0x1B8E;
	s24 =	sld [smem:$0x3FFE];
	[sflag:s23] =	ssyncadd.s32 $0xFFFFFFFF  }
0xa6: {  	s26 =	simm.s32 $execute0_lowered;
	[smem:$0x3FD2] =	sst s25  }
0xa7: {  	s6 =	sshll.u32 s26, $0x1;
	_ =	strace $0x80000046;
	[dreg:$0x1] =	wrdreg $0xFFFFFFFF  }
0xa8: {  	s28 =	simm.s32 $_size_execute0_lowered;
	s4 =	sadd.s32 s4, s6;
	[dreg:$0x0] =	wrdreg $0x0  }
0xa9: {  	s6 =	sshll.u32 s28, $0x1;
	[dreg:$0x2] =	wrdreg s4  }
0xaa: {  	[dreg:$0x3] =	wrdreg s6  }
0xab: {  	[dreg:$0x4] =	wrdreg $0xC0  }
0xac: {  	_ =	task [dreg:s8], $0x5FFFF  }
0xad: {  	[dreg:$0x1] =	wrdreg $0xFFFFFFFF  }
0xae: {  	[dreg:$0x0] =	wrdreg $0x60  }
0xaf: {  	[dreg:$0x2] =	wrdreg s18  }
0xb0: {  	[dreg:$0x3] =	wrdreg s2  }
0xb1: {  	[dreg:$0x4] =	wrdreg s24  }
0xb2: {  	[dreg:$0x5] =	wrdreg $0x9  }
0xb3: {  	_ =	task.clear_ibuf [dreg:s8], $0x6FFFF;
	_ =	strace $0x90000046  }
0xb4: {  	s29 =	simm.s32 $0x9;
	_ =	strace $0x80000048  }
0xb5: {  	_ =	swait.ge [sflag:s29], $0x1  }
0xb6: {  	[sflag:s29] =	ssyncadd.s32 $0xFFFFFFFF  }
0xb7: {  	_ =	strace $0x90000048  }
0xb8: {  	_ =	sfence  }
0xb9: {  	s30 =	sld [smem:$0x0];
	_ =	sdelay $0x2  }
0xba: {  	s31 =	sshll.u32 s1, $0xD;
	s1 =	sshrl.u32 s1, $0x2  }
0xbb: {  	s3 =	sand.u32 $0x4000, s31;
	s1 =	sadd.s32 s1, s30  }
0xbc: {  	s0 =	sor.u32 s3, s0;
	s1 =	sshll.u32 s1, $0x11  }
0xbd: {  	s0 =	sor.u32 s1, s0  }
0xbe: {  	s0 =	sadd.s32 $0x8F2B, s0  }
0xbf: {  	[sflag:s0] =	ssyncadd.remote.s32 $0x1  }
0xc0: {  	_ =	sfence.sel $0xFFFF  }
0xc1: {  	[dreg:$0x0] =	wrdreg $0xFFFFFFFF;
	(pc) =	sbr.abs _section_cstart, $3  }
0xc2: {  	[dreg:$0x1] =	wrdreg $0xFFFFFFFF  }
0xc3: {  	_ =	task.clear_ibuf [dreg:s8], $0x2FFFF;
	_ =	strace $0x9FFFFFFF  }
0xc4: {  	(tm) =	ssettm $0x7FFFFFFF  }
0xc5: {  	_ =	shalt  }
tec
execute0_lowered:
.L_overlay_start_1:
0x0: {  	(tag) =	ssettag $0x1  }
0x1: {  	s4 =	rddreg [dreg:$0x0];
	s1 =	srdreg.scid  }
0x2: {  	s0 =	stileid.u32;
	s2 =	rddreg [dreg:$0x1]  }
0x3: {  	s6 =	rddreg [dreg:$0x2];
	s3 =	simm.s32 $0x0;
	s12 =	simm.s32 $0x5900  }
0x4: {  	s13 =	simm.s32 $0x0;
	s5 =	sand.u32 $0x1, s1;
	s1 =	rddreg [dreg:$0x3]  }
0x5: {  	s28 =	sshll.u32 s0, $0x1;
	[smem:$0x7FF] =	sst s3;
	s9 =	smul.u32 $0x190000, s0  }
0x6: {  	s7 =	sor.u32 s5, s28;
	s10 =	ssub.s32 $0x2, s5;
	s5 =	smul.u32 $0xC8000, s5  }
0x7: {  	s11 =	sadd.s32 $0x1400, s6;
	s8 =	smul.u32 $0xC8000, s7;
	s29 =	sshrl.u32 s10, $0x1  }
0x8: {  	_ =	strace $0x80000047;
	s7 =	smul.u32 $0x320, s7;
	s6 =	ssub.s32 s10, s29  }
0x9: {  	s5 =	sadd.s32 s5, s9;
	s9 =	simm.s32 $0x1900;
	s10 =	simm.s32 $0x1  }
0xa: {  	s8 =	sshrl.u32 s8, $0x3;
	s4 =	sadd.s32 s4, s7;
	s31 =	sshrl.u32 s5, $0x3  }
0xb: {  	s5 =	smax.u32 s6, $0x1;
	s30 =	sadd.s32 s11, s8;
	s7 =	sadd.s32 s31, s11  }
0xc: {  	s8 =	simm.s32 $0x2;
	s11 =	simm.s32 $0x80;
	s6 =	sadd.s32 $0x18800, s30  }
.LBB2_1:
0xd: {  	[tilespmem:s3], [sflag:$0x2] =	stream.linear.gather [hbm4b:s4+s3], $0x1900, $0x38;
	[tilespmem:$0x9900] =	vst v63  }
0xe: {  	_ =	swait.ge [sflag:s8], $0x1900  }
0xf: {  	[sflag:s8] =	ssyncset.done $0x0  }
0x10: {  	[sflag:s8] =	ssyncadd.s32 $0xFFFFE700  }
0x11: {  	[tilespmem:s9], [sflag:$0x1] =	stream.indirect.gather [hbm4b:s2+s11], $0x80, s3, s11, $0xb8;
	[tilespmem:$0x9900] =	vst v63  }
0x12: {  	s16 =	simm.s32 $0x4000;
	_ =	swait.ge [sflag:s10], $0x4000  }
0x13: {  	s14 =	sand.u32 $0x4000, s16;
	[sflag:s10] =	ssyncset.done $0x0  }
0x14: {  	s15 =	sand.u32 $0x4000, s3;
	s14 =	sor.u32 $0x1900, s14;
	[sflag:s10] =	ssyncadd.s32 $0xFFFFC000  }
0x15: {  	[tilespmem:s14], [sflag:$0x1] =	stream.indirect.gather [hbm4b:s2+s11], $0x80, s11, s11, $0xb8;
	[tilespmem:$0x9900] =	vst v63  }
0x16: {  	s31 =	sor.u32 $0x1900, s15  }
0x17: {  	[hbm4b:s7+s3] =	stream.linear.scatter [tilespmem:s31], [sflag:$0x2], $0x4000, $0x38;
	[tilespmem:$0x9900] =	vst v63  }
0x18: {  	_ =	swait.ge [sflag:s8], $0x4000  }
0x19: {  	s15 =	smov.u32 s7;
	s14 =	simm.s32 $0x100;
	[sflag:s8] =	ssyncset.done $0x0  }
.LBB2_2:
0x1a: {  	[sflag:s8] =	ssyncadd.s32 $0xFFFFC000  }
0x1b: {  	s15 =	sadd.s32 $0x800, s15;
	s17 =	smov.u32 s16;
	s18 =	sadd.s32 $0x4000, s16  }
0x1c: {  	p0 =	sne.s32 s16, $0xC0000;
	s19 =	sand.u32 $0x4000, s18  }
0x1d: {  	_ =	swait.ge [sflag:s10], $0x4000;
	s16 =	sor.u32 $0x1900, s19  }
0x1e: {  	[sflag:s10] =	ssyncset.done $0x0  }
0x1f: {  	s17 =	sand.u32 $0x4000, s17;
	[sflag:s10] =	ssyncadd.s32 $0xFFFFC000  }
0x20: {  	[tilespmem:s16], [sflag:$0x1] =	stream.indirect.gather [hbm4b:s2+s11], $0x80, s14, s11, $0xb8;
	[tilespmem:$0x9900] =	vst v63  }
.Ltmp0:
0x21: {  	_ = 	snop;
	(pc) =	sbr.rel @p0 .LBB2_2-.Ltmp0, $4  }
0x22: {  	s16 =	sor.u32 $0x1900, s17  }
0x23: {  	[hbm4b:s15+s3] =	stream.linear.scatter [tilespmem:s16], [sflag:$0x2], $0x4000, $0x38;
	[tilespmem:$0x9900] =	vst v63  }
0x24: {  	_ =	swait.ge [sflag:s8], $0x4000  }
0x25: {  	s14 =	sadd.s32 $0x80, s14;
	s16 =	smov.u32 s18;
	[sflag:s8] =	ssyncset.done $0x0  }
0x26: {  	[sflag:s8] =	ssyncadd.s32 $0xFFFFC000  }
0x27: {  	s13 =	sadd.s32 $0x1, s13;
	_ =	swait.ge [sflag:s10], $0x4000  }
0x28: {  	p0 =	sne.s32 s13, s5;
	[sflag:s10] =	ssyncset.done $0x0  }
.Ltmp1:
0x29: {  	[sflag:s10] =	ssyncadd.s32 $0xFFFFC000;
	(pc) =	sbr.rel @p0 .LBB2_1-.Ltmp1, $4  }
0x2a: {  	[hbm4b:s6+s3] =	stream.linear.scatter [tilespmem:s12], [sflag:$0x2], $0x4000, $0x38;
	[tilespmem:$0x9900] =	vst v63  }
0x2b: {  	_ =	swait.ge [sflag:s8], $0x4000  }
0x2c: {  	[sflag:s8] =	ssyncset.done $0x0  }
0x2d: {  	[sflag:s8] =	ssyncadd.s32 $0xFFFFC000  }
0x2e: {  	_ =	sfence.sel $0x180000  }
0x2f: {  	[bflag:$0x0] =	sbarrier.arrive $0xFFFF  }
0x30: {  	p0 =	sne.s32 s0, $0x0;
	_ =	strace $0x90000047  }
0x31: {  	s0 =	sadd.s32 @!p0 $0x100000, s1;
	[bflag:$0x2] =	sbarrier.arrive $0xFFFF  }
0x32: {  	[sflag:s0] =	ssyncadd.tile.s32 @!p0 $0x1;
	_ =	shalt  }
.Lfunc_end2:
_tile_overlayer_lowered:
.L_overlay_start_2:
0x33: {  	(tag) =	ssettag $0x2  }
0x34: {  	s0 =	rddreg [dreg:$0x0];
	s2 =	stileid.u32  }
0x35: {  	s1 =	rddreg [dreg:$0x1];
	p0 =	sne.s32 s2, $0x0  }
0x36: {  	s3 =	rddreg [dreg:$0x2];
	[bflag:$0x3] =	sbarrier.arrive $0xFFFF;
	s2 =	simm.s32 @!p0 $0x1C02  }
0x37: {  	[timem:s3], [sflag:s2] =	dma.local @!p0 [hbm:s0], s1  }
0x38: {  	s0 =	simm.s32 @!p0 $0x2  }
0x39: {  	_ =	swait.ge @!p0 [sflag:s0], s1  }
0x3a: {  	s1 =	ssub.s32 @!p0 $0x0, s1;
	[sflag:s0] =	ssyncset.done @!p0 $0x0  }
0x3b: {  	[sflag:s0] =	ssyncadd.s32 @!p0 s1  }
0x3c: {  	[bflag:$0x3] =	sbarrier.arrive $0xFFFF  }
0x3d: {  	_ =	shalt  }

</sc_bundles>
